<compile_context>
chip_gen: v7x
topology: tpu7x:2x2x1
jax: 0.10.2.dev20260603
libtpu: 0.0.44.dev20260713+nightly
codegen_flags: <defaults>
</compile_context>

<pallas_src>
import dataclasses

import jax
import jax.numpy as jnp
from jax import lax
from jax.experimental import pallas as pl
from jax.experimental.pallas import tpu as pltpu
from jax.experimental.pallas import tpu_sc as plsc

B = 16384
V_SIZE = 1000000
D = 64
C_POS = 20
C_NEG = 50
C = C_POS + C_NEG
C_PAD = 80
NW = 32
BPW = B // NW
NB = 8
STEPS = BPW // NB
ROWS_STEP = NB * C
GCHUNK = 112
NGC = ROWS_STEP // GCHUNK


T_BLK = 16384
T_GRID = (V_SIZE + T_BLK - 1) // T_BLK
TROWS = 2 * V_SIZE


def _transpose_body(a_ref, b_ref, o_ref):
    o_ref[...] = jnp.concatenate([a_ref[...], b_ref[...]], axis=0).T


@jax.jit
def _tc_transpose(u_t, v_t):
    out = pl.pallas_call(
        _transpose_body,
        grid=(T_GRID,),
        in_specs=[
            pl.BlockSpec((D, T_BLK), lambda i: (0, i)),
            pl.BlockSpec((D, T_BLK), lambda i: (0, i)),
        ],
        out_specs=pl.BlockSpec((T_BLK, 2 * D), lambda i: (i, 0)),
        out_shape=jax.ShapeDtypeStruct((V_SIZE, 2 * D), jnp.float32),
    )(u_t, v_t)
    return out.reshape(TROWS, D)


def _sc_body(w_hbm, idx_hbm, x_hbm, out_hbm,
             xbuf, vcs, idx_a, idx_b, rows_a, rows_b, out_a, out_b,
             sem, gsem_a, gsem_b, osem_a, osem_b, isem_a, isem_b):
    wid = lax.axis_index("s") * 2 + lax.axis_index("c")
    base = wid * BPW

    lane = lax.iota(jnp.int32, 16)
    masks = [lane == j for j in range(16)]

    def stage_idx(s, idx_v, isem):
        b0 = base + s * NB
        pltpu.async_copy(idx_hbm.at[pl.ds(b0 * C, ROWS_STEP)], idx_v, isem)

    def fire_step(s, idx_v, rows, gsem, isem):
        b0 = base + s * NB
        pltpu.make_async_copy(
            idx_hbm.at[pl.ds(b0 * C, ROWS_STEP)], idx_v, isem).wait()
        for k in range(ROWS_STEP // 16):
            iv = idx_v[pl.ds(k * 16, 16)]
            idx_v[pl.ds(k * 16, 16)] = iv + iv
        for k in range(NGC):
            pltpu.async_copy(
                w_hbm.at[idx_v.at[pl.ds(k * GCHUNK, GCHUNK)]],
                rows.at[pl.ds(k * GCHUNK, GCHUNK)], gsem)

    def wait_step(idx_v, rows, gsem):
        for k in range(NGC):
            pltpu.make_async_copy(
                w_hbm.at[idx_v.at[pl.ds(k * GCHUNK, GCHUNK)]],
                rows.at[pl.ds(k * GCHUNK, GCHUNK)], gsem).wait()

    def wait_out(out_v, osem):
        pltpu.make_async_copy(out_v, out_hbm.at[pl.ds(base, NB)],
                              osem).wait()

    def compute_step(s, rows, out_v, osem):
        @pl.loop(0, NB)
        def _row(i):
            bb = s * NB + i
            vc0 = vcs[bb, pl.ds(0, 16)]
            vc1 = vcs[bb, pl.ds(16, 16)]
            vc2 = vcs[bb, pl.ds(32, 16)]
            vc3 = vcs[bb, pl.ds(48, 16)]
            accs = [jnp.zeros((16,), jnp.float32) for _ in range(5)]
            for j in range(C):
                r = i * C + j
                t = rows[r, pl.ds(0, 16)] * vc0
                t = t + rows[r, pl.ds(16, 16)] * vc1
                t = t + rows[r, pl.ds(32, 16)] * vc2
                t = t + rows[r, pl.ds(48, 16)] * vc3
                sv = jnp.sum(t)
                g, l = divmod(j, 16)
                accs[g] = jnp.where(masks[l], sv, accs[g])
            for g in range(5):
                out_v[i, pl.ds(g * 16, 16)] = accs[g]

        pltpu.async_copy(out_v, out_hbm.at[pl.ds(base + s * NB, NB)], osem)

    pltpu.sync_copy(x_hbm.at[pl.ds(base, BPW)], xbuf)
    for k in range(BPW // 16):
        xv = xbuf[pl.ds(k * 16, 16)]
        xbuf[pl.ds(k * 16, 16)] = xv + xv + 1
    vc_copies = [
        pltpu.async_copy(
            w_hbm.at[xbuf.at[pl.ds(k * 128, 128)]],
            vcs.at[pl.ds(k * 128, 128)], sem)
        for k in range(BPW // 128)
    ]
    for cp in vc_copies:
        cp.wait()

    stage_idx(0, idx_a, isem_a)
    stage_idx(1, idx_b, isem_b)
    fire_step(0, idx_a, rows_a, gsem_a, isem_a)

    @pl.loop(0, STEPS, step=2)
    def _pair(s):
        fire_step(s + 1, idx_b, rows_b, gsem_b, isem_b)
        wait_step(idx_a, rows_a, gsem_a)

        @pl.when(s + 2 < STEPS)
        def _():
            stage_idx(s + 2, idx_a, isem_a)

        @pl.when(s > 0)
        def _():
            wait_out(out_a, osem_a)

        compute_step(s, rows_a, out_a, osem_a)

        @pl.when(s + 2 < STEPS)
        def _():
            fire_step(s + 2, idx_a, rows_a, gsem_a, isem_a)

        wait_step(idx_b, rows_b, gsem_b)

        @pl.when(s + 3 < STEPS)
        def _():
            stage_idx(s + 3, idx_b, isem_b)

        @pl.when(s > 0)
        def _():
            wait_out(out_b, osem_b)

        compute_step(s + 1, rows_b, out_b, osem_b)

    wait_out(out_a, osem_a)
    wait_out(out_b, osem_b)


@jax.jit
def _sc_dots(w_packed, idx_all, x):
    mesh = plsc.VectorSubcoreMesh(core_axis_name="c", subcore_axis_name="s")
    cp = pltpu.CompilerParams()
    if "needs_layout_passes" in pltpu.CompilerParams.__dataclass_fields__:
        cp = dataclasses.replace(cp, needs_layout_passes=False)
    if "use_tc_tiling_on_sc" in pltpu.CompilerParams.__dataclass_fields__:
        cp = dataclasses.replace(cp, use_tc_tiling_on_sc=False)
    kern = pl.kernel(
        _sc_body,
        out_type=jax.ShapeDtypeStruct((B, C_PAD), jnp.float32),
        mesh=mesh,
        scratch_types=[
            pltpu.VMEM((BPW,), jnp.int32),
            pltpu.VMEM((BPW, D), jnp.float32),
            pltpu.VMEM((ROWS_STEP,), jnp.int32),
            pltpu.VMEM((ROWS_STEP,), jnp.int32),
            pltpu.VMEM((ROWS_STEP, D), jnp.float32),
            pltpu.VMEM((ROWS_STEP, D), jnp.float32),
            pltpu.VMEM((NB, C_PAD), jnp.float32),
            pltpu.VMEM((NB, C_PAD), jnp.float32),
            pltpu.SemaphoreType.DMA,
            pltpu.SemaphoreType.DMA,
            pltpu.SemaphoreType.DMA,
            pltpu.SemaphoreType.DMA,
            pltpu.SemaphoreType.DMA,
            pltpu.SemaphoreType.DMA,
            pltpu.SemaphoreType.DMA,
        ],
        compiler_params=cp,
    )
    return kern(w_packed, idx_all, x)


def _tc_body(uv_ref, o_ref):
    z = uv_ref[...]
    col = lax.broadcasted_iota(jnp.int32, z.shape, 1)
    pos = col < C_POS
    valid = col < C
    zs = jnp.where(pos, z, -z)
    ls = jnp.minimum(zs, 0.0) - jnp.log1p(jnp.exp(-jnp.abs(zs)))
    contrib = jnp.where(valid, ls, 0.0)
    o_ref[...] = -jnp.sum(contrib, axis=1)


@jax.jit
def _tc_epilogue(uv):
    blk = 2048
    return pl.pallas_call(
        _tc_body,
        grid=(B // blk,),
        in_specs=[pl.BlockSpec((blk, C_PAD), lambda i: (i, 0))],
        out_specs=pl.BlockSpec((blk,), lambda i: (i,)),
        out_shape=jax.ShapeDtypeStruct((B,), jnp.float32),
    )(uv)


def kernel(x, positive_w, negative_w, V_weight, U_weight):
    idx_all = jnp.concatenate(
        [positive_w.astype(jnp.int32), negative_w.astype(jnp.int32)], axis=1
    ).reshape(-1)
    w_rm = _tc_transpose(U_weight.T, V_weight.T)
    uv = _sc_dots(w_rm, idx_all, x.astype(jnp.int32))
    return _tc_epilogue(uv)

# --- scband reference (transcript-rebuilt; emitter-appended) ---
"""Pipeline reference for scband-skip-gram-model-42322607735001 (READ-ONLY COPY).

The authoritative reference and input builder live on the scoring server;
editing this copy changes nothing except your own understanding.
"""

import jax, jax.numpy as jnp
import numpy as np

V_SIZE = 1000000
N_DIM = 64

def setup_inputs(seed: int = 0) -> dict:
    key = jax.random.key(seed)
    k1, k2, k3, k4, k5 = jax.random.split(key, 5)
    initrange = 0.5 / N_DIM
    x = jax.random.randint(k1, (16384,), 0, V_SIZE, dtype=jnp.int64 if jax.config.jax_enable_x64 else jnp.int32).astype(jnp.int32)
    positive_w = jax.random.randint(k2, (16384, 20), 0, V_SIZE).astype(jnp.int32)
    negative_w = jax.random.randint(k3, (16384, 50), 0, V_SIZE).astype(jnp.int32)
    V_weight = jax.random.normal(k4, (V_SIZE, N_DIM), dtype=jnp.float32) * initrange
    U_weight = jax.random.normal(k5, (V_SIZE, N_DIM), dtype=jnp.float32) * initrange
    return {"x": x, "positive_w": positive_w, "negative_w": negative_w, "V_weight": V_weight, "U_weight": U_weight}

def reference(x, positive_w, negative_w, V_weight, U_weight):
    vc = jnp.take(V_weight, x, axis=0)                 # [B, n]
    u_context = jnp.take(U_weight, positive_w, axis=0)  # [B, C, n]
    u_negative = jnp.take(U_weight, negative_w, axis=0)  # [B, K, n]
    uv_context = jnp.einsum('bcd,bd->bc', u_context, vc)
    uv_negative = jnp.einsum('bkd,bd->bk', u_negative, -vc)
    log_pos = jax.nn.log_sigmoid(uv_context).sum(axis=1)
    log_neg = jax.nn.log_sigmoid(uv_negative).sum(axis=1)
    loss = log_pos + log_neg
    return -loss

if __name__ == "__main__":
    import jax
    _d = setup_inputs()
    print(jax.jit(kernel)(*tuple(_d.values())))

</pallas_src>

<mosaic_0001>
module attributes {stable_mosaic.version = 14 : i64} {
  func.func @_transpose_body(%arg0: i32, %arg1: memref<64x16384xf32, #tpu.memory_space<vmem>>, %arg2: memref<64x16384xf32, #tpu.memory_space<vmem>>, %arg3: memref<16384x128xf32, #tpu.memory_space<vmem>>) attributes {dimension_semantics = [#tpu.dimension_semantics<arbitrary>], iteration_bounds = array<i64: 62>, scalar_prefetch = 0 : i64, scratch_operands = 0 : i64, tpu.core_type = #tpu.core_type<tc>, window_params = [{transform_indices = @transform_0, window_bounds = array<i64: 64, 16384>}, {transform_indices = @transform_1, window_bounds = array<i64: 64, 16384>}, {transform_indices = @transform_2, window_bounds = array<i64: 16384, 128>}]} {
    %get3A = arith.constant 0 : index
    %get3A_0 = arith.constant 0 : index
    %get3A_1 = vector.load %arg1[%get3A, %get3A_0] : memref<64x16384xf32, #tpu.memory_space<vmem>>, vector<64x16384xf32>
    %get3A_2 = arith.constant 0 : index
    %get3A_3 = arith.constant 0 : index
    %get3A_4 = vector.load %arg2[%get3A_2, %get3A_3] : memref<64x16384xf32, #tpu.memory_space<vmem>>, vector<64x16384xf32>
    %concatenate3A = tpu.concatenate %get3A_1, %get3A_4 in 0 : vector<64x16384xf32>, vector<64x16384xf32> -> vector<128x16384xf32>
    %transpose3A = tpu.transpose %concatenate3A, [1, 0] : vector<128x16384xf32> -> vector<16384x128xf32>
    %swap3A = arith.constant 0 : index
    %swap3A_5 = arith.constant 0 : index
    %swap3A_6 = vector.load %arg3[%swap3A, %swap3A_5] : memref<16384x128xf32, #tpu.memory_space<vmem>>, vector<16384x128xf32>
    tpu.vector_store %arg3[%swap3A, %swap3A_5], %transpose3A {strides = array<i32>} : memref<16384x128xf32, #tpu.memory_space<vmem>>, vector<16384x128xf32>,
    return
  }
  func.func @transform_0(%arg0: i32) -> (i32, i32) {
    %c0_i32 = arith.constant 0 : i32
    %c0_i32_0 = arith.constant 0 : i32
    return %c0_i32, %arg0 : i32, i32
  }
  func.func @transform_1(%arg0: i32) -> (i32, i32) {
    %c0_i32 = arith.constant 0 : i32
    %c0_i32_0 = arith.constant 0 : i32
    return %c0_i32, %arg0 : i32, i32
  }
  func.func @transform_2(%arg0: i32) -> (i32, i32) {
    %c0_i32 = arith.constant 0 : i32
    %c0_i32_0 = arith.constant 0 : i32
    return %arg0, %c0_i32 : i32, i32
  }
}

</mosaic_0001>

<sc_bundles>
// kernel: sparse-core-data-format-call.cloned.1.call-start
scs
called_computation_lowered:
.L_overlay_start_0:
0x0: {  	s2 =	sld [smem:$0x3FD9]  }
0x1: {  	s3 =	sld [smem:$0x3FFE];
	_ =	sdelay $0x1  }
0x2: {  	s1 =	srdreg.scid  }
0x3: {  	s0 =	sand.u32 $0x1, s1  }
0x4: {  	s18 =	sshll.u32 s0, $0xA;
	s2 =	sadd.s32 s3, s2  }
0x5: {  	s2 =	sadd.s32 s2, s18  }
0x6: {  	[smem:$0x3FC6] =	sst s2  }
0x7: {  	_ = 	snop  }
0x8: {  	s2 =	sld [smem:$0x3FD0];
	(tm) =	ssettm $0x1  }
0x9: {  	s19 =	sld [smem:$0x3FFB];
	_ =	sdelay $0x3  }
0xa: {  	_ =	strace s19  }
0xb: {  	s3 =	sld [smem:$0x3FFC];
	_ =	sdelay $0x3  }
0xc: {  	_ =	strace s3  }
0xd: {  	s3 =	sld [smem:$0x3FFD];
	_ =	sdelay $0x3  }
0xe: {  	_ =	strace s3  }
0xf: {  	_ =	strace $0x8FFFFFFF  }
0x10: {  	s20 =	sld [smem:$0x3FDB];
	_ =	sdelay $0x1  }
0x11: {  	s4 =	simm.s32 $_scs_section_size  }
0x12: {  	s5 =	simm.s32 $_size__tile_overlayer_lowered;
	s6 =	simm.s32 $_tile_overlayer_lowered  }
0x13: {  	s23 =	simm.s32 $0x1BFF;
	s22 =	sshll.u32 s6, $0x1;
	s3 =	sadd.s32 s4, s20  }
0x14: {  	s7 =	simm.s32 $0x0;
	s21 =	sshll.u32 s5, $0x1;
	s5 =	sadd.s32 s22, s3  }
0x15: {  	[timem:s7], [sflag:s23] =	dma.local [hbm:s5], s21  }
0x16: {  	_ =	swait.ge [sflag:s23], s21  }
0x17: {  	s4 =	ssub.s32 $0x0, s21;
	[sflag:s23] =	ssyncset.done $0x0  }
0x18: {  	[sflag:s23] =	ssyncadd.s32 s4;
	_ =	sdelay $0x1  }
0x19: {  	s24 =	simm.s32 $0x1B8B  }
0x1a: {  	_ =	swait.ge [sflag:s24], $0x1  }
0x1b: {  	[sflag:s24] =	ssyncset.done $0x0  }
0x1c: {  	s26 =	simm.s32 $0x1B8E;
	s25 =	sld [smem:$0x3FFE];
	[sflag:s24] =	ssyncadd.s32 $0xFFFFFFFF  }
0x1d: {  	s27 =	simm.s32 $execute0_lowered;
	[smem:$0x3FD2] =	sst s26  }
0x1e: {  	s5 =	sshll.u32 s27, $0x1;
	_ =	strace $0x80000046;
	[dreg:$0x1] =	wrdreg $0xFFFFFFFF  }
0x1f: {  	s28 =	simm.s32 $_size_execute0_lowered;
	s3 =	sadd.s32 s3, s5;
	[dreg:$0x0] =	wrdreg $0x0  }
0x20: {  	s5 =	sshll.u32 s28, $0x1;
	[dreg:$0x2] =	wrdreg s3  }
0x21: {  	[dreg:$0x3] =	wrdreg s5  }
0x22: {  	[dreg:$0x4] =	wrdreg $0xC0  }
0x23: {  	_ =	task [dreg:s7], $0x5FFFF  }
0x24: {  	[dreg:$0x1] =	wrdreg $0xFFFFFFFF  }
0x25: {  	[dreg:$0x0] =	wrdreg $0x60  }
0x26: {  	[dreg:$0x2] =	wrdreg s25  }
0x27: {  	[dreg:$0x3] =	wrdreg s2  }
0x28: {  	[dreg:$0x4] =	wrdreg $0x9  }
0x29: {  	_ =	task.clear_ibuf [dreg:s7], $0x5FFFF;
	_ =	strace $0x90000046  }
0x2a: {  	s29 =	simm.s32 $0x9;
	_ =	strace $0x80000048  }
0x2b: {  	_ =	swait.ge [sflag:s29], $0x1  }
0x2c: {  	[sflag:s29] =	ssyncadd.s32 $0xFFFFFFFF  }
0x2d: {  	_ =	strace $0x90000048  }
0x2e: {  	_ =	sfence  }
0x2f: {  	s30 =	sld [smem:$0x0];
	_ =	sdelay $0x2  }
0x30: {  	s31 =	sshll.u32 s1, $0xD;
	s1 =	sshrl.u32 s1, $0x2  }
0x31: {  	s3 =	sand.u32 $0x4000, s31;
	s1 =	sadd.s32 s1, s30  }
0x32: {  	s0 =	sor.u32 s3, s0;
	s1 =	sshll.u32 s1, $0x11  }
0x33: {  	s0 =	sor.u32 s1, s0  }
0x34: {  	s0 =	sadd.s32 $0x8F2B, s0  }
0x35: {  	[sflag:s0] =	ssyncadd.remote.s32 $0x1  }
0x36: {  	_ =	sfence.sel $0xFFFF  }
0x37: {  	[dreg:$0x0] =	wrdreg $0xFFFFFFFF;
	(pc) =	sbr.abs _section_cstart, $3  }
0x38: {  	[dreg:$0x1] =	wrdreg $0xFFFFFFFF  }
0x39: {  	_ =	task.clear_ibuf [dreg:s7], $0x2FFFF;
	_ =	strace $0x9FFFFFFF  }
0x3a: {  	(tm) =	ssettm $0x7FFFFFFF  }
0x3b: {  	_ =	shalt  }
tec
execute0_lowered:
.L_overlay_start_1:
0x0: {  	(tag) =	ssettag $0x1  }
0x1: {  	s0 =	srdreg.scid  }
0x2: {  	s1 =	sshll.u32 s0, $0x4  }
0x3: {  	s4 =	rddreg [dreg:$0x0];
	s0 =	stileid.u32;
	s1 =	sand.u32 $0x10, s1  }
0x4: {  	s2 =	rddreg [dreg:$0x1];
	s7 =	simm.s32 $0x1;
	s1 =	sor.u32 s0, s1  }
0x5: {  	s8 =	simm.s32 $0x2;
	s11 =	simm.s32 $0x0;
	s3 =	sshll.u32 s1, $0x7  }
0x6: {  	s10 =	simm.s32 $0x0;
	s4 =	sadd.s32 $0x400, s4;
	s6 =	ssub.s32 $0x1E8480, s3  }
.Ltmp0:
0x7: {  	s1 =	rddreg [dreg:$0x2];
	s5 =	sand.u32 $0xF80, s6;
	(pc) =	sbr.rel .LBB1_1-.Ltmp0, $4  }
0x8: {  	_ =	strace $0x80000047;
	s9 =	smov.u32 s3;
	p0 =	sne.s32 s5, $0x0  }
0x9: {  	s6 =	sshrl.u32 s6, $0xC;
	s5 =	simm.s32 $0x1;
	s7 =	simm.s32 @!p0 $0x0  }
0xa: {  	[sflag:s5] =	ssyncpa.u1 $0x0;
	p0 =	por $0x0, $0x0;
	s6 =	sadd.s32 s7, s6  }
0xb: {  	[sflag:s8] =	ssyncpa.u1 $0x0;
	s8 =	simm.s32 $0xF42400;
	s7 =	sadd.s32 $0x1, s6  }
.LBB1_4:
0xc: {  	s14 =	sshll.u32 s11, $0x3  }
0xd: {  	s30 =	sand.u32 $0x7F, s11;
	s14 =	sand.u32 $0xFFFFFC00, s14  }
0xe: {  	s11 =	sor.u32 s30, s14  }
0xf: {  	s15 =	smulhi.u32 $0x431BDE83, s11;
	_ =	sdelay $0x1  }
0x10: {  	s14 =	smulhi.u32 $0x431BDE83, s14;
	s15 =	sshrl.u32 s15, $0x13  }
0x11: {  	s15 =	smul.u32 $0x1E8480, s15  }
0x12: {  	s14 =	sshrl.u32 s14, $0x13  }
0x13: {  	s14 =	sand.u32 $0x3F, s14;
	s11 =	ssub.s32 s11, s15  }
0x14: {  	[tilespmem:s13+$0x810 ss:$0x81] =	vst.msk $0xffff, v2;
	s14 =	smul.u32 $0x3D090, s14;
	s15 =	sshrl.u32 s11, $0x3;
	s11 =	sand.u32 $0x7, s11  }
0x15: {  	[tilespmem:s13+$0x1020 ss:$0x81] =	vst.msk $0xffff, v0;
	s15 =	sadd.s32 s2, s15;
	s11 =	sshll.u32 s11, $0x12  }
0x16: {  	[tilespmem:s13+$0x0 ss:$0x81] =	vst.msk $0xffff, v1;
	s31 =	sadd.s32 s14, s15;
	s11 =	sor.u32 $0x400, s11  }
0x17: {  	[hbm4b:s31+s11] =	stream.strided.scatter [tilespmem:s12], [sflag:$0x2], $0x2000, s8, s11, $0x20;
	[tilespmem:$0x8080] =	vst v63  }
.LBB1_5:
0x18: {  	s13 =	sadd.s32 $0x1000, s9  }
0x19: {  	p2 =	sgt.s32 s13, $0x1E847F  }
0x1a: {  	s13 =	smov.u32 @p2 s3;
	p2 =	sne.s32 s10, s7  }
.Ltmp1:
0x1b: {  	p1 =	slt.u32 s10, $0x2;
	(pc) =	sbr.rel @!p2 .LBB1_6-.Ltmp1, $4  }
0x1c: {  	s12 =	simm.s32 @!p1 $0x2  }
0x1d: {  	s14 =	sadd.s32 $0x1, s10;
	_ =	swait.ge @!p1 [sflag:s12], $0x2000  }
0x1e: {  	s11 =	smov.u32 s9;
	p0 =	por !p0, !p0;
	[sflag:s12] =	ssyncset.done @!p1 $0x0  }
0x1f: {  	s10 =	smov.u32 s14;
	s9 =	smov.u32 s13;
	[sflag:s12] =	ssyncadd.s32 @!p1 $0xFFFFE000  }
.LBB1_1:
0x20: {  	p1 =	sge.u32 s10, s6  }
0x21: {  	s12 =	sand.u32 @!p1 $0x1FFFFFF, s9  }
0x22: {  	s13 =	smulhi.u32 @!p1 $0x218DEF5, s12;
	_ =	sdelay $0x1  }
0x23: {  	s13 =	sshrl.u32 @!p1 s13, $0xE  }
0x24: {  	s13 =	smul.u32 @!p1 $0x1E8480, s13;
	_ =	sdelay $0x1  }
0x25: {  	s31 =	sadd.s32 $0xFFFFFFFF, s10;
	s14 =	sxor.u32 @!p1 $0xFFFFFFFF, s10;
	s12 =	ssub.s32 @!p1 s12, s13  }
0x26: {  	s15 =	simm.s32 @!p1 $0x80;
	s14 =	sshll.u32 @!p1 s14, $0xD;
	s12 =	sshll.u32 @!p1 s12, $0x4  }
0x27: {  	s13 =	sand.u32 @!p1 $0x2000, s14;
	s14 =	simm.s32 @!p1 $0x40;
	s12 =	sadd.s32 @!p1 s4, s12  }
0x28: {  	[tilespmem:s13], [sflag:$0x1] =	stream.strided.gather @!p1 [hbm4b:s12+s14], $0x2000, s15, s14, $0x38;
	[tilespmem:$0x8080] =	vst v63  }
0x29: {  	p1 =	sge.u32 s31, s6  }
.Ltmp2:
0x2a: {  	_ = 	snop;
	(pc) =	sbr.rel @p1 .LBB1_5-.Ltmp2, $1  }
0x2b: {  	_ =	sdelay $0x3  }
0x2c: {  	s12 =	simm.s32 $0x1  }
0x2d: {  	_ =	swait.ge [sflag:s5], $0x2000;
	s12 =	simm.s32 @!p0 $0x0  }
0x2e: {  	[sflag:s5] =	ssyncset.done $0x0;
	s13 =	sshll.u32 s12, $0xD  }
0x2f: {  	[sflag:s5] =	ssyncadd.s32 $0xFFFFE000;
	s16 =	sor.u32 $0x20, s13  }
0x30: {  	s12 =	smul.u32 $0x8100, s12;
	v3 =	vld [tilespmem:s16+$0x10]  }
0x31: {  	s30 =	sand.u32 $0x1, s10;
	v2 =	vld [tilespmem:s16+$0xFFFFFFF0]  }
0x32: {  	s13 =	smul.u32 $0x8100, s30;
	s12 =	sshrl.u32 s12, $0x2;
	v0 =	vld [tilespmem:s16+$0x0]  }
0x33: {  	v1 =	vld [tilespmem:s16+$0xFFFFFFE0];
	s14 =	sor.u32 $0x4000, s12  }
0x34: {  	s31 =	sshrl.u32 s13, $0x2;
	s13 =	sadd.s32 $0x0, s14  }
0x35: {  	s15 =	simm.s32 $0x4;
	s16 =	sadd.s32 $0x40, s16;
	s12 =	sor.u32 $0x4000, s31;
	[tilespmem:s13+$0x1830 ss:$0x81] =	vst.msk $0xffff, v3  }
.LBB1_3:
0x36: {  	v3 =	vld [tilespmem:s16+$0x10];
	p1 =	sne.s32 s15, $0x1FC;
	[tilespmem:s13+$0x810 ss:$0x81] =	vst.msk $0xffff, v2;
	s17 =	smov.u32 s15;
	s15 =	sadd.s32 $0x4, s15  }
.Ltmp3:
0x37: {  	v2 =	vld [tilespmem:s16+$0xFFFFFFF0];
	[tilespmem:s13+$0x1020 ss:$0x81] =	vst.msk $0xffff, v0;
	(pc) =	sbr.rel @p1 .LBB1_3-.Ltmp3, $4  }
0x38: {  	v0 =	vld [tilespmem:s16+$0x0];
	[tilespmem:s13+$0x0 ss:$0x81] =	vst.msk $0xffff, v1  }
0x39: {  	s13 =	sshra.s32 s17, $0x2;
	v1 =	vld [tilespmem:s16+$0xFFFFFFE0]  }
0x3a: {  	s13 =	sadd.s32 s13, s14  }
0x3b: {  	s16 =	sadd.s32 $0x40, s16;
	[tilespmem:s13+$0x1830 ss:$0x81] =	vst.msk $0xffff, v3  }
.Ltmp4:
0x3c: {  	_ = 	snop;
	(pc) =	sbr.rel .LBB1_4-.Ltmp4, $1  }
0x3d: {  	_ =	sdelay $0x3  }
.LBB1_6:
0x3e: {  	_ =	sfence.sel $0x180000  }
0x3f: {  	s2 =	simm.s32 $0x1;
	[bflag:$0x0] =	sbarrier.arrive $0xFFFF  }
0x40: {  	s31 =	simm.s32 $0x2;
	[sflag:s2] =	ssyncpa.u1 $0x1  }
0x41: {  	[sflag:s31] =	ssyncpa.u1 $0x1  }
0x42: {  	p0 =	sne.s32 s0, $0x0;
	_ =	strace $0x90000047  }
0x43: {  	s0 =	sadd.s32 @!p0 $0x100000, s1;
	[bflag:$0x2] =	sbarrier.arrive $0xFFFF  }
0x44: {  	[sflag:s0] =	ssyncadd.tile.s32 @!p0 $0x1;
	_ =	shalt  }
.Lfunc_end1:
_tile_overlayer_lowered:
.L_overlay_start_2:
0x45: {  	(tag) =	ssettag $0x2  }
0x46: {  	s0 =	rddreg [dreg:$0x0];
	s2 =	stileid.u32  }
0x47: {  	s1 =	rddreg [dreg:$0x1];
	p0 =	sne.s32 s2, $0x0  }
0x48: {  	s3 =	rddreg [dreg:$0x2];
	[bflag:$0x3] =	sbarrier.arrive $0xFFFF;
	s2 =	simm.s32 @!p0 $0x1C01  }
0x49: {  	[timem:s3], [sflag:s2] =	dma.local @!p0 [hbm:s0], s1  }
0x4a: {  	s0 =	simm.s32 @!p0 $0x1  }
0x4b: {  	_ =	swait.ge @!p0 [sflag:s0], s1  }
0x4c: {  	s1 =	ssub.s32 @!p0 $0x0, s1;
	[sflag:s0] =	ssyncset.done @!p0 $0x0  }
0x4d: {  	[sflag:s0] =	ssyncadd.s32 @!p0 s1  }
0x4e: {  	[bflag:$0x3] =	sbarrier.arrive $0xFFFF  }
0x4f: {  	_ =	shalt  }

</sc_bundles>
